<compile_context>
chip_gen: v7x
topology: tpu7x:2x2x1
jax: 0.10.2.dev20260603
libtpu: 0.0.44.dev20260713+nightly
codegen_flags: <defaults>
</compile_context>

<pallas_src>
import functools

import jax
import jax.numpy as jnp
from jax import lax
from jax.experimental import pallas as pl
from jax.experimental.pallas import tpu as pltpu
from jax.experimental.pallas import tpu_sc as plsc

B, H, W = 4, 512, 512
P = 50000
HW = H * W
NC, NS, L = 2, 16, 16
NW = NC * NS
TPB = NW // B
CHUNK = 6256
PP = TPB * CHUNK
N = B * PP
PADN = CHUNK + L
SLICE = 2 * HW // NS


def _prep_body(xa_ref, ya_ref, xb_ref, yb_ref, ia_ref, ib_ref):
    zpad = jnp.zeros((PP - P,), jnp.int32)
    for b in range(B):
        boff = (b % 2) * HW
        ia_ref[pl.ds(b * PP, P)] = boff + ya_ref[b, :] * W + xa_ref[b, :]
        ia_ref[pl.ds(b * PP + P, PP - P)] = zpad
        ib_ref[pl.ds(b * PP, P)] = boff + yb_ref[b, :] * W + xb_ref[b, :]
        ib_ref[pl.ds(b * PP + P, PP - P)] = zpad


def _prep(xa, ya, xb, yb):
    return pl.pallas_call(
        _prep_body,
        out_shape=(jax.ShapeDtypeStruct((N,), jnp.int32),
                   jax.ShapeDtypeStruct((N,), jnp.int32)),
    )(xa, ya, xb, yb)


def _sc_gather(img, ia, ib):
    mesh = plsc.VectorSubcoreMesh(core_axis_name="c", subcore_axis_name="s")

    @functools.partial(
        pl.kernel,
        out_type=(jax.ShapeDtypeStruct((N,), jnp.float32),
                  jax.ShapeDtypeStruct((N,), jnp.float32)),
        mesh=mesh,
        scratch_types=[
            pltpu.VMEM((PADN,), jnp.int32),
            pltpu.VMEM((PADN,), jnp.int32),
            pltpu.VMEM((PADN,), jnp.float32),
            pltpu.VMEM((PADN,), jnp.float32),
            pltpu.VMEM_SHARED((2 * HW,), jnp.float32),
            pltpu.SemaphoreType.DMA,
            pltpu.SemaphoreType.DMA,
            pltpu.SemaphoreType.DMA,
        ],
    )
    def k(img_hbm, ia_hbm, ib_hbm, za_hbm, zb_hbm,
          ia_v, ib_v, za_v, zb_v, smap, isem, gsem, ssem):
        c = lax.axis_index("c")
        s = lax.axis_index("s")
        wid = c * NS + s
        base = wid * CHUNK

        pltpu.async_copy(ia_hbm.at[pl.ds(base, CHUNK)],
                         ia_v.at[pl.ds(0, CHUNK)], isem)
        pltpu.async_copy(ib_hbm.at[pl.ds(base, CHUNK)],
                         ib_v.at[pl.ds(0, CHUNK)], isem)
        imgf = img_hbm.reshape(B * H, W)
        lb = lax.bitwise_and(lax.shift_right_logical(s, 3), 1)
        hrows = H // NS

        def stage_map(m, sem):
            srow = (2 * c + m) * H + s * hrows

            def stage_body(r, cc):
                pltpu.async_copy(imgf.at[srow + r, :],
                                 smap.at[pl.ds(m * HW + (s * hrows + r) * W, W)],
                                 sem)
                return cc
            lax.fori_loop(0, hrows, stage_body, 0)

        stage_map(0, gsem)
        stage_map(1, ssem)
        pltpu.make_async_copy(ia_hbm.at[pl.ds(0, CHUNK)],
                              ia_v.at[pl.ds(0, CHUNK)], isem).wait()
        pltpu.make_async_copy(ia_hbm.at[pl.ds(0, CHUNK)],
                              ib_v.at[pl.ds(0, CHUNK)], isem).wait()
        zpad = jnp.zeros((L,), jnp.int32)
        ia_v[pl.ds(CHUNK, L)] = zpad
        ib_v[pl.ds(CHUNK, L)] = zpad
        pltpu.make_async_copy(za_hbm.at[pl.ds(0, hrows * W)],
                              smap.at[pl.ds(0, hrows * W)], gsem).wait()
        plsc.subcore_barrier()

        def fire_gathers(cc):
            pltpu.async_copy(smap.at[ia_v], za_v, gsem)
            pltpu.async_copy(smap.at[ib_v], zb_v, gsem)
            return cc

        @pl.when(lb == 0)
        def _():
            fire_gathers(0)

        pltpu.make_async_copy(za_hbm.at[pl.ds(0, hrows * W)],
                              smap.at[pl.ds(0, hrows * W)], ssem).wait()
        plsc.subcore_barrier()

        @pl.when(lb == 1)
        def _():
            fire_gathers(0)

        pltpu.make_async_copy(smap.at[pl.ds(0, PADN)], za_v, gsem).wait()
        pltpu.make_async_copy(smap.at[pl.ds(0, PADN)], zb_v, gsem).wait()

        pltpu.async_copy(za_v.at[pl.ds(0, CHUNK)],
                         za_hbm.at[pl.ds(base, CHUNK)], isem)
        pltpu.async_copy(zb_v.at[pl.ds(0, CHUNK)],
                         zb_hbm.at[pl.ds(base, CHUNK)], isem)
        pltpu.make_async_copy(za_v.at[pl.ds(0, CHUNK)],
                              za_hbm.at[pl.ds(0, CHUNK)], isem).wait()
        pltpu.make_async_copy(za_v.at[pl.ds(0, CHUNK)],
                              zb_hbm.at[pl.ds(0, CHUNK)], isem).wait()

    return k(img, ia, ib)


def _loss_body(za_ref, zb_ref, o_ref, out_ref):
    acc = jnp.float32(0.0)
    for b in range(B):
        d = za_ref[pl.ds(b * PP, P)] - zb_ref[pl.ds(b * PP, P)]
        gt = o_ref[b, :].astype(jnp.float32) - 1.0
        mask = jnp.abs(gt)
        loss = mask * jnp.log(1.0 + jnp.exp(-gt * d)) + (1.0 - mask) * d * d
        acc = acc + jnp.sum(loss)
    out_ref[0] = acc / float(B * P)


def _loss(za, zb, o):
    return pl.pallas_call(
        _loss_body,
        out_shape=jax.ShapeDtypeStruct((1,), jnp.float32),
        out_specs=pl.BlockSpec(memory_space=pltpu.SMEM),
    )(za, zb, o)


def kernel(input, x_A, y_A, x_B, y_B, ordinal_relation):
    xa = x_A.astype(jnp.int32)
    ya = y_A.astype(jnp.int32)
    xb = x_B.astype(jnp.int32)
    yb = y_B.astype(jnp.int32)
    ia, ib = _prep(xa, ya, xb, yb)
    za, zb = _sc_gather(input, ia, ib)
    return _loss(za, zb, ordinal_relation.astype(jnp.int32))

# --- scband reference (transcript-rebuilt; emitter-appended) ---
"""Pipeline reference for scband-relative-depth-crit-75703093559728 (READ-ONLY COPY).

The authoritative reference and input builder live on the scoring server;
editing this copy changes nothing except your own understanding.
"""

import jax, jax.numpy as jnp
import numpy as np

B, C, H, W = 4, 1, 512, 512
P = 50000

def setup_inputs(seed: int = 0) -> dict:
    key = jax.random.key(seed)
    k0, k1, k2, k3, k4, k5 = jax.random.split(key, 6)
    inp = {
        "input": jax.random.normal(k0, (B, C, H, W), dtype=jnp.float32),
        "x_A": jax.random.randint(k1, (B, P), 0, W, dtype=jnp.int64) if jax.config.jax_enable_x64 else jax.random.randint(k1, (B, P), 0, W).astype(jnp.int64) if False else jax.random.randint(k1, (B, P), 0, W),
        "y_A": jax.random.randint(k2, (B, P), 0, H),
        "x_B": jax.random.randint(k3, (B, P), 0, W),
        "y_B": jax.random.randint(k4, (B, P), 0, H),
        "ordinal_relation": jax.random.randint(k5, (B, P), 0, 3, dtype=jnp.int32),
    }
    return inp

def reference(input, x_A, y_A, x_B, y_B, ordinal_relation):
    # Faithful translation of relative_depth_crit.forward, vectorized over batch.
    # For each batch b and pair p:
    #   z_A[b,p] = input[b, 0, y_A[b,p], x_A[b,p]]  (index_select on cols + gather on rows)
    #   z_B[b,p] = input[b, 0, y_B[b,p], x_B[b,p]]
    b_idx = jnp.arange(input.shape[0])[:, None]
    z_A = input[b_idx, 0, y_A, x_A]
    z_B = input[b_idx, 0, y_B, x_B]
    # ground truth in {-1, 0, 1}
    gt = ordinal_relation.astype(jnp.float32) - 1.0
    mask = jnp.abs(gt)
    diff = z_A - z_B
    loss = mask * jnp.log(1.0 + jnp.exp(-gt * diff)) + (1.0 - mask) * diff * diff
    n_point_total = input.shape[0] * x_A.shape[1]
    out = jnp.sum(loss) / n_point_total
    return out.reshape(1)

if __name__ == "__main__":
    import jax
    _d = setup_inputs()
    print(jax.jit(kernel)(*tuple(_d.values())))

</pallas_src>

<mosaic_0001>
#map = affine_map<(d0, d1) -> (0, 0, 0, 0)>
#map1 = affine_map<(d0, d1) -> (0)>
module attributes {stable_mosaic.version = 14 : i64} {
  func.func @k(%arg0: i32, %arg1: i32, %arg2: memref<4x1x512x512xf32, #tpu.memory_space<hbm>>, %arg3: memref<200192xi32, #tpu.memory_space<hbm>>, %arg4: memref<200192xi32, #tpu.memory_space<hbm>>, %arg5: memref<200192xf32, #tpu.memory_space<hbm>>, %arg6: memref<200192xf32, #tpu.memory_space<hbm>>, %arg7: memref<6272xi32, #tpu.memory_space<vmem>>, %arg8: memref<6272xi32, #tpu.memory_space<vmem>>, %arg9: memref<6272xf32, #tpu.memory_space<vmem>>, %arg10: memref<6272xf32, #tpu.memory_space<vmem>>, %arg11: memref<524288xf32, #tpu.memory_space<vmem_shared>>, %arg12: memref<!tpu.dma_semaphore, #tpu.memory_space<semaphore_mem>>, %arg13: memref<!tpu.dma_semaphore, #tpu.memory_space<semaphore_mem>>, %arg14: memref<!tpu.dma_semaphore, #tpu.memory_space<semaphore_mem>>) attributes {dimension_semantics = [#tpu.dimension_semantics<core_parallel>, #tpu.dimension_semantics<subcore_parallel>], iteration_bounds = array<i64: 2, 16>, scalar_prefetch = 0 : i64, scratch_operands = 8 : i64, tpu.core_type = #tpu.core_type<sc_vector_subcore>, window_params = [{transform_indices = #map}, {transform_indices = #map1}, {transform_indices = #map1}, {transform_indices = #map1}, {transform_indices = #map1}]} {
    %mul3A = arith.constant 16 : i32
    %mul3A_0 = arith.muli %arg0, %mul3A : i32
    %add3A = arith.addi %mul3A_0, %arg1 : i32
    %mul3A_1 = arith.constant 6256 : i32
    %mul3A_2 = arith.muli %add3A, %mul3A_1 : i32
    %dma_start3A = arith.constant 0 : i32
    %dma_start3A_3 = tpu.memref_slice %arg7[%dma_start3A] : memref<6272xi32, #tpu.memory_space<vmem>> -> memref<6256xi32, #tpu.memory_space<vmem>>
    %dma_start3A_4 = tpu.memref_slice %arg3[%mul3A_2] : memref<200192xi32, #tpu.memory_space<hbm>> -> memref<6256xi32, #tpu.memory_space<hbm>>
    %dma_start3A_5 = arith.constant 0 : i32
    %dma_start3A_6 = tpu.memref_slice %arg7[%dma_start3A_5] : memref<6272xi32, #tpu.memory_space<vmem>> -> memref<6256xi32, #tpu.memory_space<vmem>>
    %dma_start3A_7 = tpu.memref_slice %arg3[%mul3A_2] : memref<200192xi32, #tpu.memory_space<hbm>> -> memref<6256xi32, #tpu.memory_space<hbm>>
    tpu.enqueue_dma source(%dma_start3A_7 : memref<6256xi32, #tpu.memory_space<hbm>>) target(%dma_start3A_6 : memref<6256xi32, #tpu.memory_space<vmem>>) target_semaphore(%arg12 : memref<!tpu.dma_semaphore, #tpu.memory_space<semaphore_mem>>)
    %dma_start3A_8 = arith.constant 0 : i32
    %dma_start3A_9 = tpu.memref_slice %arg8[%dma_start3A_8] : memref<6272xi32, #tpu.memory_space<vmem>> -> memref<6256xi32, #tpu.memory_space<vmem>>
    %dma_start3A_10 = tpu.memref_slice %arg4[%mul3A_2] : memref<200192xi32, #tpu.memory_space<hbm>> -> memref<6256xi32, #tpu.memory_space<hbm>>
    %dma_start3A_11 = arith.constant 0 : i32
    %dma_start3A_12 = tpu.memref_slice %arg8[%dma_start3A_11] : memref<6272xi32, #tpu.memory_space<vmem>> -> memref<6256xi32, #tpu.memory_space<vmem>>
    %dma_start3A_13 = tpu.memref_slice %arg4[%mul3A_2] : memref<200192xi32, #tpu.memory_space<hbm>> -> memref<6256xi32, #tpu.memory_space<hbm>>
    tpu.enqueue_dma source(%dma_start3A_13 : memref<6256xi32, #tpu.memory_space<hbm>>) target(%dma_start3A_12 : memref<6256xi32, #tpu.memory_space<vmem>>) target_semaphore(%arg12 : memref<!tpu.dma_semaphore, #tpu.memory_space<semaphore_mem>>)
    %shift_right_logical3A = arith.constant 3 : i32
    %shift_right_logical3A_14 = arith.shrui %arg1, %shift_right_logical3A : i32
    %and3A = arith.constant 1 : i32
    %and3A_15 = arith.andi %shift_right_logical3A_14, %and3A : i32
    %mul3A_16 = arith.constant 2 : i32
    %mul3A_17 = arith.muli %mul3A_16, %arg0 : i32
    %add3A_18 = arith.constant 0 : i32
    %add3A_19 = arith.addi %mul3A_17, %add3A_18 : i32
    %mul3A_20 = arith.constant 512 : i32
    %mul3A_21 = arith.muli %add3A_19, %mul3A_20 : i32
    %mul3A_22 = arith.constant 32 : i32
    %mul3A_23 = arith.muli %arg1, %mul3A_22 : i32
    %add3A_24 = arith.addi %mul3A_21, %mul3A_23 : i32
    %scan3A = arith.constant 0 : i32
    %scan3A_25 = arith.constant 0 : i32
    %scan3A_26 = arith.constant 32 : i32
    %scan3A_27 = arith.addi %scan3A_25, %scan3A_26 : i32
    %scan3A_28 = arith.constant 1 : i32
    scf.for %scan3A_120 = %scan3A_25 to %scan3A_27 step %scan3A_28  : i32 {
      %add3A_121 = arith.addi %add3A_24, %scan3A_120 : i32
      %mul3A_122 = arith.constant 32 : i32
      %mul3A_123 = arith.muli %arg1, %mul3A_122 : i32
      %add3A_124 = arith.addi %mul3A_123, %scan3A_120 : i32
      %mul3A_125 = arith.constant 512 : i32
      %mul3A_126 = arith.muli %add3A_124, %mul3A_125 : i32
      %add3A_127 = arith.constant 0 : i32
      %add3A_128 = arith.addi %add3A_127, %mul3A_126 : i32
      %dma_start3A_129 = tpu.memref_slice %arg11[%add3A_128] : memref<524288xf32, #tpu.memory_space<vmem_shared>> -> memref<512xf32, #tpu.memory_space<vmem_shared>>
      %dma_start3A_130 = tpu.memref_reshape %arg2 : memref<4x1x512x512xf32, #tpu.memory_space<hbm>> -> memref<2048x512xf32, #tpu.memory_space<hbm>>
      %dma_start3A_131 = arith.constant 0 : i32
      %dma_start3A_132 = tpu.memref_slice %dma_start3A_130[%add3A_121, %dma_start3A_131] : memref<2048x512xf32, #tpu.memory_space<hbm>> -> memref<1x512xf32, #tpu.memory_space<hbm>>
      %dma_start3A_133 = tpu.memref_squeeze %dma_start3A_132 : memref<1x512xf32, #tpu.memory_space<hbm>> -> memref<512xf32, #tpu.memory_space<hbm>>
      tpu.enqueue_dma source(%dma_start3A_133 : memref<512xf32, #tpu.memory_space<hbm>>) target(%dma_start3A_129 : memref<512xf32, #tpu.memory_space<vmem_shared>>) target_semaphore(%arg13 : memref<!tpu.dma_semaphore, #tpu.memory_space<semaphore_mem>>)
    }
    %scan3A_29 = arith.constant 32 : i32
    %mul3A_30 = arith.constant 2 : i32
    %mul3A_31 = arith.muli %mul3A_30, %arg0 : i32
    %add3A_32 = arith.constant 1 : i32
    %add3A_33 = arith.addi %mul3A_31, %add3A_32 : i32
    %mul3A_34 = arith.constant 512 : i32
    %mul3A_35 = arith.muli %add3A_33, %mul3A_34 : i32
    %mul3A_36 = arith.constant 32 : i32
    %mul3A_37 = arith.muli %arg1, %mul3A_36 : i32
    %add3A_38 = arith.addi %mul3A_35, %mul3A_37 : i32
    %scan3A_39 = arith.constant 0 : i32
    %scan3A_40 = arith.constant 0 : i32
    %scan3A_41 = arith.constant 32 : i32
    %scan3A_42 = arith.addi %scan3A_40, %scan3A_41 : i32
    %scan3A_43 = arith.constant 1 : i32
    scf.for %scan3A_120 = %scan3A_40 to %scan3A_42 step %scan3A_43  : i32 {
      %add3A_121 = arith.addi %add3A_38, %scan3A_120 : i32
      %mul3A_122 = arith.constant 32 : i32
      %mul3A_123 = arith.muli %arg1, %mul3A_122 : i32
      %add3A_124 = arith.addi %mul3A_123, %scan3A_120 : i32
      %mul3A_125 = arith.constant 512 : i32
      %mul3A_126 = arith.muli %add3A_124, %mul3A_125 : i32
      %add3A_127 = arith.constant 262144 : i32
      %add3A_128 = arith.addi %add3A_127, %mul3A_126 : i32
      %dma_start3A_129 = tpu.memref_slice %arg11[%add3A_128] : memref<524288xf32, #tpu.memory_space<vmem_shared>> -> memref<512xf32, #tpu.memory_space<vmem_shared>>
      %dma_start3A_130 = tpu.memref_reshape %arg2 : memref<4x1x512x512xf32, #tpu.memory_space<hbm>> -> memref<2048x512xf32, #tpu.memory_space<hbm>>
      %dma_start3A_131 = arith.constant 0 : i32
      %dma_start3A_132 = tpu.memref_slice %dma_start3A_130[%add3A_121, %dma_start3A_131] : memref<2048x512xf32, #tpu.memory_space<hbm>> -> memref<1x512xf32, #tpu.memory_space<hbm>>
      %dma_start3A_133 = tpu.memref_squeeze %dma_start3A_132 : memref<1x512xf32, #tpu.memory_space<hbm>> -> memref<512xf32, #tpu.memory_space<hbm>>
      tpu.enqueue_dma source(%dma_start3A_133 : memref<512xf32, #tpu.memory_space<hbm>>) target(%dma_start3A_129 : memref<512xf32, #tpu.memory_space<vmem_shared>>) target_semaphore(%arg14 : memref<!tpu.dma_semaphore, #tpu.memory_space<semaphore_mem>>)
    }
    %scan3A_44 = arith.constant 32 : i32
    %dma_wait3A = arith.constant 0 : i32
    %dma_wait3A_45 = tpu.memref_slice %arg7[%dma_wait3A] : memref<6272xi32, #tpu.memory_space<vmem>> -> memref<6256xi32, #tpu.memory_space<vmem>>
    %dma_wait3A_46 = arith.constant 0 : i32
    %dma_wait3A_47 = tpu.memref_slice %arg3[%dma_wait3A_46] : memref<200192xi32, #tpu.memory_space<hbm>> -> memref<6256xi32, #tpu.memory_space<hbm>>
    %dma_wait3A_48 = arith.constant 0 : i32
    %dma_wait3A_49 = tpu.memref_slice %arg7[%dma_wait3A_48] : memref<6272xi32, #tpu.memory_space<vmem>> -> memref<6256xi32, #tpu.memory_space<vmem>>
    %dma_wait3A_50 = arith.constant 0 : i32
    %dma_wait3A_51 = tpu.memref_slice %arg3[%dma_wait3A_50] : memref<200192xi32, #tpu.memory_space<hbm>> -> memref<6256xi32, #tpu.memory_space<hbm>>
    tpu.wait_dma2 semaphore(%arg12 : memref<!tpu.dma_semaphore, #tpu.memory_space<semaphore_mem>>) src(%dma_wait3A_51 : memref<6256xi32, #tpu.memory_space<hbm>>) dst(%dma_wait3A_49 : memref<6256xi32, #tpu.memory_space<vmem>>)
    %dma_wait3A_52 = arith.constant 0 : i32
    %dma_wait3A_53 = tpu.memref_slice %arg8[%dma_wait3A_52] : memref<6272xi32, #tpu.memory_space<vmem>> -> memref<6256xi32, #tpu.memory_space<vmem>>
    %dma_wait3A_54 = arith.constant 0 : i32
    %dma_wait3A_55 = tpu.memref_slice %arg3[%dma_wait3A_54] : memref<200192xi32, #tpu.memory_space<hbm>> -> memref<6256xi32, #tpu.memory_space<hbm>>
    %dma_wait3A_56 = arith.constant 0 : i32
    %dma_wait3A_57 = tpu.memref_slice %arg8[%dma_wait3A_56] : memref<6272xi32, #tpu.memory_space<vmem>> -> memref<6256xi32, #tpu.memory_space<vmem>>
    %dma_wait3A_58 = arith.constant 0 : i32
    %dma_wait3A_59 = tpu.memref_slice %arg3[%dma_wait3A_58] : memref<200192xi32, #tpu.memory_space<hbm>> -> memref<6256xi32, #tpu.memory_space<hbm>>
    tpu.wait_dma2 semaphore(%arg12 : memref<!tpu.dma_semaphore, #tpu.memory_space<semaphore_mem>>) src(%dma_wait3A_59 : memref<6256xi32, #tpu.memory_space<hbm>>) dst(%dma_wait3A_57 : memref<6256xi32, #tpu.memory_space<vmem>>)
    %broadcast_in_dim3A = arith.constant 0 : i32
    %broadcast_in_dim3A_60 = vector.broadcast %broadcast_in_dim3A : i32 to vector<16xi32>
    %swap3A = arith.constant 6256 : index
    %swap3A_61 = tpu.vector_load %arg7[%swap3A] {strides = array<i32>} : memref<6272xi32, #tpu.memory_space<vmem>>, vector<16xi32>,
    %swap3A_62 = vector.shape_cast %swap3A_61 : vector<16xi32> to vector<16xi32>
    %swap3A_63 = vector.shape_cast %broadcast_in_dim3A_60 : vector<16xi32> to vector<16xi32>
    tpu.vector_store %arg7[%swap3A], %swap3A_63 {strides = array<i32>} : memref<6272xi32, #tpu.memory_space<vmem>>, vector<16xi32>,
    %swap3A_64 = arith.constant 6256 : index
    %swap3A_65 = tpu.vector_load %arg8[%swap3A_64] {strides = array<i32>} : memref<6272xi32, #tpu.memory_space<vmem>>, vector<16xi32>,
    %swap3A_66 = vector.shape_cast %swap3A_65 : vector<16xi32> to vector<16xi32>
    %swap3A_67 = vector.shape_cast %broadcast_in_dim3A_60 : vector<16xi32> to vector<16xi32>
    tpu.vector_store %arg8[%swap3A_64], %swap3A_67 {strides = array<i32>} : memref<6272xi32, #tpu.memory_space<vmem>>, vector<16xi32>,
    %dma_wait3A_68 = arith.constant 0 : i32
    %dma_wait3A_69 = tpu.memref_slice %arg11[%dma_wait3A_68] : memref<524288xf32, #tpu.memory_space<vmem_shared>> -> memref<16384xf32, #tpu.memory_space<vmem_shared>>
    %dma_wait3A_70 = arith.constant 0 : i32
    %dma_wait3A_71 = tpu.memref_slice %arg5[%dma_wait3A_70] : memref<200192xf32, #tpu.memory_space<hbm>> -> memref<16384xf32, #tpu.memory_space<hbm>>
    tpu.wait_dma2 semaphore(%arg13 : memref<!tpu.dma_semaphore, #tpu.memory_space<semaphore_mem>>) src(%dma_wait3A_71 : memref<16384xf32, #tpu.memory_space<hbm>>) dst(%dma_wait3A_69 : memref<16384xf32, #tpu.memory_space<vmem_shared>>)
    %barrier3A = arith.constant 0 : index
    tpu.barrier barrier_id(%barrier3A)
    %eq3A = arith.constant 0 : i32
    %eq3A_72 = arith.cmpi eq, %and3A_15, %eq3A : i32
    %convert_element_type3A = arith.extui %eq3A_72 : i1 to i32
    %cond3A = arith.constant 0 : i32
    %cond3A_73 = arith.cmpi ne, %convert_element_type3A, %cond3A : i32
    scf.if %cond3A_73 {
      %dma_start3A_120 = arith.constant 0 : i32
      %dma_start3A_121 = tpu.memref_slice %arg11[%dma_start3A_120] : memref<524288xf32, #tpu.memory_space<vmem_shared>> -> memref<524288xf32, #tpu.memory_space<vmem_shared>>
      tpu.enqueue_indirect_dma source(%dma_start3A_121 : memref<524288xf32, #tpu.memory_space<vmem_shared>>) target(%arg9 : memref<6272xf32, #tpu.memory_space<vmem>>) offsets(%arg7 : memref<6272xi32, #tpu.memory_space<vmem>>) semaphore(%arg13 : memref<!tpu.dma_semaphore, #tpu.memory_space<semaphore_mem>>)
      %dma_start3A_122 = arith.constant 0 : i32
      %dma_start3A_123 = tpu.memref_slice %arg11[%dma_start3A_122] : memref<524288xf32, #tpu.memory_space<vmem_shared>> -> memref<524288xf32, #tpu.memory_space<vmem_shared>>
      tpu.enqueue_indirect_dma source(%dma_start3A_123 : memref<524288xf32, #tpu.memory_space<vmem_shared>>) target(%arg10 : memref<6272xf32, #tpu.memory_space<vmem>>) offsets(%arg8 : memref<6272xi32, #tpu.memory_space<vmem>>) semaphore(%arg13 : memref<!tpu.dma_semaphore, #tpu.memory_space<semaphore_mem>>)
    } else {
    }
    %dma_wait3A_74 = arith.constant 0 : i32
    %dma_wait3A_75 = tpu.memref_slice %arg11[%dma_wait3A_74] : memref<524288xf32, #tpu.memory_space<vmem_shared>> -> memref<16384xf32, #tpu.memory_space<vmem_shared>>
    %dma_wait3A_76 = arith.constant 0 : i32
    %dma_wait3A_77 = tpu.memref_slice %arg5[%dma_wait3A_76] : memref<200192xf32, #tpu.memory_space<hbm>> -> memref<16384xf32, #tpu.memory_space<hbm>>
    tpu.wait_dma2 semaphore(%arg14 : memref<!tpu.dma_semaphore, #tpu.memory_space<semaphore_mem>>) src(%dma_wait3A_77 : memref<16384xf32, #tpu.memory_space<hbm>>) dst(%dma_wait3A_75 : memref<16384xf32, #tpu.memory_space<vmem_shared>>)
    %barrier3A_78 = arith.constant 0 : index
    tpu.barrier barrier_id(%barrier3A_78)
    %eq3A_79 = arith.constant 1 : i32
    %eq3A_80 = arith.cmpi eq, %and3A_15, %eq3A_79 : i32
    %convert_element_type3A_81 = arith.extui %eq3A_80 : i1 to i32
    %cond3A_82 = arith.constant 0 : i32
    %cond3A_83 = arith.cmpi ne, %convert_element_type3A_81, %cond3A_82 : i32
    scf.if %cond3A_83 {
      %dma_start3A_120 = arith.constant 0 : i32
      %dma_start3A_121 = tpu.memref_slice %arg11[%dma_start3A_120] : memref<524288xf32, #tpu.memory_space<vmem_shared>> -> memref<524288xf32, #tpu.memory_space<vmem_shared>>
      tpu.enqueue_indirect_dma source(%dma_start3A_121 : memref<524288xf32, #tpu.memory_space<vmem_shared>>) target(%arg9 : memref<6272xf32, #tpu.memory_space<vmem>>) offsets(%arg7 : memref<6272xi32, #tpu.memory_space<vmem>>) semaphore(%arg13 : memref<!tpu.dma_semaphore, #tpu.memory_space<semaphore_mem>>)
      %dma_start3A_122 = arith.constant 0 : i32
      %dma_start3A_123 = tpu.memref_slice %arg11[%dma_start3A_122] : memref<524288xf32, #tpu.memory_space<vmem_shared>> -> memref<524288xf32, #tpu.memory_space<vmem_shared>>
      tpu.enqueue_indirect_dma source(%dma_start3A_123 : memref<524288xf32, #tpu.memory_space<vmem_shared>>) target(%arg10 : memref<6272xf32, #tpu.memory_space<vmem>>) offsets(%arg8 : memref<6272xi32, #tpu.memory_space<vmem>>) semaphore(%arg13 : memref<!tpu.dma_semaphore, #tpu.memory_space<semaphore_mem>>)
    } else {
    }
    %dma_wait3A_84 = arith.constant 0 : i32
    %dma_wait3A_85 = tpu.memref_slice %arg11[%dma_wait3A_84] : memref<524288xf32, #tpu.memory_space<vmem_shared>> -> memref<6272xf32, #tpu.memory_space<vmem_shared>>
    %dma_wait3A_86 = arith.constant 0 : i32
    %dma_wait3A_87 = tpu.memref_slice %arg11[%dma_wait3A_86] : memref<524288xf32, #tpu.memory_space<vmem_shared>> -> memref<6272xf32, #tpu.memory_space<vmem_shared>>
    tpu.wait_dma2 semaphore(%arg13 : memref<!tpu.dma_semaphore, #tpu.memory_space<semaphore_mem>>) src(%dma_wait3A_87 : memref<6272xf32, #tpu.memory_space<vmem_shared>>) dst(%arg9 : memref<6272xf32, #tpu.memory_space<vmem>>)
    %dma_wait3A_88 = arith.constant 0 : i32
    %dma_wait3A_89 = tpu.memref_slice %arg11[%dma_wait3A_88] : memref<524288xf32, #tpu.memory_space<vmem_shared>> -> memref<6272xf32, #tpu.memory_space<vmem_shared>>
    %dma_wait3A_90 = arith.constant 0 : i32
    %dma_wait3A_91 = tpu.memref_slice %arg11[%dma_wait3A_90] : memref<524288xf32, #tpu.memory_space<vmem_shared>> -> memref<6272xf32, #tpu.memory_space<vmem_shared>>
    tpu.wait_dma2 semaphore(%arg13 : memref<!tpu.dma_semaphore, #tpu.memory_space<semaphore_mem>>) src(%dma_wait3A_91 : memref<6272xf32, #tpu.memory_space<vmem_shared>>) dst(%arg10 : memref<6272xf32, #tpu.memory_space<vmem>>)
    %dma_start3A_92 = arith.constant 0 : i32
    %dma_start3A_93 = tpu.memref_slice %arg9[%dma_start3A_92] : memref<6272xf32, #tpu.memory_space<vmem>> -> memref<6256xf32, #tpu.memory_space<vmem>>
    %dma_start3A_94 = tpu.memref_slice %arg5[%mul3A_2] : memref<200192xf32, #tpu.memory_space<hbm>> -> memref<6256xf32, #tpu.memory_space<hbm>>
    %dma_start3A_95 = tpu.memref_slice %arg5[%mul3A_2] : memref<200192xf32, #tpu.memory_space<hbm>> -> memref<6256xf32, #tpu.memory_space<hbm>>
    %dma_start3A_96 = arith.constant 0 : i32
    %dma_start3A_97 = tpu.memref_slice %arg9[%dma_start3A_96] : memref<6272xf32, #tpu.memory_space<vmem>> -> memref<6256xf32, #tpu.memory_space<vmem>>
    tpu.enqueue_dma source(%dma_start3A_97 : memref<6256xf32, #tpu.memory_space<vmem>>) target(%dma_start3A_95 : memref<6256xf32, #tpu.memory_space<hbm>>) target_semaphore(%arg12 : memref<!tpu.dma_semaphore, #tpu.memory_space<semaphore_mem>>)
    %dma_start3A_98 = arith.constant 0 : i32
    %dma_start3A_99 = tpu.memref_slice %arg10[%dma_start3A_98] : memref<6272xf32, #tpu.memory_space<vmem>> -> memref<6256xf32, #tpu.memory_space<vmem>>
    %dma_start3A_100 = tpu.memref_slice %arg6[%mul3A_2] : memref<200192xf32, #tpu.memory_space<hbm>> -> memref<6256xf32, #tpu.memory_space<hbm>>
    %dma_start3A_101 = tpu.memref_slice %arg6[%mul3A_2] : memref<200192xf32, #tpu.memory_space<hbm>> -> memref<6256xf32, #tpu.memory_space<hbm>>
    %dma_start3A_102 = arith.constant 0 : i32
    %dma_start3A_103 = tpu.memref_slice %arg10[%dma_start3A_102] : memref<6272xf32, #tpu.memory_space<vmem>> -> memref<6256xf32, #tpu.memory_space<vmem>>
    tpu.enqueue_dma source(%dma_start3A_103 : memref<6256xf32, #tpu.memory_space<vmem>>) target(%dma_start3A_101 : memref<6256xf32, #tpu.memory_space<hbm>>) target_semaphore(%arg12 : memref<!tpu.dma_semaphore, #tpu.memory_space<semaphore_mem>>)
    %dma_wait3A_104 = arith.constant 0 : i32
    %dma_wait3A_105 = tpu.memref_slice %arg9[%dma_wait3A_104] : memref<6272xf32, #tpu.memory_space<vmem>> -> memref<6256xf32, #tpu.memory_space<vmem>>
    %dma_wait3A_106 = arith.constant 0 : i32
    %dma_wait3A_107 = tpu.memref_slice %arg5[%dma_wait3A_106] : memref<200192xf32, #tpu.memory_space<hbm>> -> memref<6256xf32, #tpu.memory_space<hbm>>
    %dma_wait3A_108 = arith.constant 0 : i32
    %dma_wait3A_109 = tpu.memref_slice %arg5[%dma_wait3A_108] : memref<200192xf32, #tpu.memory_space<hbm>> -> memref<6256xf32, #tpu.memory_space<hbm>>
    %dma_wait3A_110 = arith.constant 0 : i32
    %dma_wait3A_111 = tpu.memref_slice %arg9[%dma_wait3A_110] : memref<6272xf32, #tpu.memory_space<vmem>> -> memref<6256xf32, #tpu.memory_space<vmem>>
    tpu.wait_dma2 semaphore(%arg12 : memref<!tpu.dma_semaphore, #tpu.memory_space<semaphore_mem>>) src(%dma_wait3A_111 : memref<6256xf32, #tpu.memory_space<vmem>>) dst(%dma_wait3A_109 : memref<6256xf32, #tpu.memory_space<hbm>>)
    %dma_wait3A_112 = arith.constant 0 : i32
    %dma_wait3A_113 = tpu.memref_slice %arg9[%dma_wait3A_112] : memref<6272xf32, #tpu.memory_space<vmem>> -> memref<6256xf32, #tpu.memory_space<vmem>>
    %dma_wait3A_114 = arith.constant 0 : i32
    %dma_wait3A_115 = tpu.memref_slice %arg6[%dma_wait3A_114] : memref<200192xf32, #tpu.memory_space<hbm>> -> memref<6256xf32, #tpu.memory_space<hbm>>
    %dma_wait3A_116 = arith.constant 0 : i32
    %dma_wait3A_117 = tpu.memref_slice %arg6[%dma_wait3A_116] : memref<200192xf32, #tpu.memory_space<hbm>> -> memref<6256xf32, #tpu.memory_space<hbm>>
    %dma_wait3A_118 = arith.constant 0 : i32
    %dma_wait3A_119 = tpu.memref_slice %arg9[%dma_wait3A_118] : memref<6272xf32, #tpu.memory_space<vmem>> -> memref<6256xf32, #tpu.memory_space<vmem>>
    tpu.wait_dma2 semaphore(%arg12 : memref<!tpu.dma_semaphore, #tpu.memory_space<semaphore_mem>>) src(%dma_wait3A_119 : memref<6256xf32, #tpu.memory_space<vmem>>) dst(%dma_wait3A_117 : memref<6256xf32, #tpu.memory_space<hbm>>)
    return
  }
}

module attributes {stable_mosaic.version = 14 : i64} {
  func.func @_prep_body(%arg0: memref<4x50000xi32, #tpu.memory_space<vmem>>, %arg1: memref<4x50000xi32, #tpu.memory_space<vmem>>, %arg2: memref<4x50000xi32, #tpu.memory_space<vmem>>, %arg3: memref<4x50000xi32, #tpu.memory_space<vmem>>, %arg4: memref<200192xi32, #tpu.memory_space<vmem>>, %arg5: memref<200192xi32, #tpu.memory_space<vmem>>) attributes {dimension_semantics = [], scalar_prefetch = 0 : i64, scratch_operands = 0 : i64, tpu.core_type = #tpu.core_type<tc>} {
    %broadcast_in_dim3A = arith.constant 0 : i32
    %broadcast_in_dim3A_0 = vector.broadcast %broadcast_in_dim3A : i32 to vector<48xi32>
    %get3A = arith.constant 0 : index
    %get3A_1 = arith.constant 0 : index
    %get3A_2 = vector.load %arg1[%get3A, %get3A_1] : memref<4x50000xi32, #tpu.memory_space<vmem>>, vector<1x50000xi32>
    %get3A_3 = vector.shape_cast %get3A_2 : vector<1x50000xi32> to vector<50000xi32>
    %mul3A = arith.constant 512 : i32
    %mul3A_4 = vector.broadcast %mul3A : i32 to vector<50000xi32>
    %mul3A_5 = arith.muli %get3A_3, %mul3A_4 : vector<50000xi32>
    %add3A = arith.constant 0 : i32
    %add3A_6 = vector.broadcast %add3A : i32 to vector<50000xi32>
    %add3A_7 = arith.addi %add3A_6, %mul3A_5 : vector<50000xi32>
    %get3A_8 = arith.constant 0 : index
    %get3A_9 = arith.constant 0 : index
    %get3A_10 = vector.load %arg0[%get3A_8, %get3A_9] : memref<4x50000xi32, #tpu.memory_space<vmem>>, vector<1x50000xi32>
    %get3A_11 = vector.shape_cast %get3A_10 : vector<1x50000xi32> to vector<50000xi32>
    %add3A_12 = arith.addi %add3A_7, %get3A_11 : vector<50000xi32>
    %swap3A = arith.constant 0 : index
    %swap3A_13 = vector.load %arg4[%swap3A] : memref<200192xi32, #tpu.memory_space<vmem>>, vector<50000xi32>
    tpu.vector_store %arg4[%swap3A], %add3A_12 {strides = array<i32>} : memref<200192xi32, #tpu.memory_space<vmem>>, vector<50000xi32>,
    %swap3A_14 = arith.constant 50000 : index
    %swap3A_15 = vector.load %arg4[%swap3A_14] : memref<200192xi32, #tpu.memory_space<vmem>>, vector<48xi32>
    tpu.vector_store %arg4[%swap3A_14], %broadcast_in_dim3A_0 {strides = array<i32>} : memref<200192xi32, #tpu.memory_space<vmem>>, vector<48xi32>,
    %get3A_16 = arith.constant 0 : index
    %get3A_17 = arith.constant 0 : index
    %get3A_18 = vector.load %arg3[%get3A_16, %get3A_17] : memref<4x50000xi32, #tpu.memory_space<vmem>>, vector<1x50000xi32>
    %get3A_19 = vector.shape_cast %get3A_18 : vector<1x50000xi32> to vector<50000xi32>
    %mul3A_20 = arith.constant 512 : i32
    %mul3A_21 = vector.broadcast %mul3A_20 : i32 to vector<50000xi32>
    %mul3A_22 = arith.muli %get3A_19, %mul3A_21 : vector<50000xi32>
    %add3A_23 = arith.constant 0 : i32
    %add3A_24 = vector.broadcast %add3A_23 : i32 to vector<50000xi32>
    %add3A_25 = arith.addi %add3A_24, %mul3A_22 : vector<50000xi32>
    %get3A_26 = arith.constant 0 : index
    %get3A_27 = arith.constant 0 : index
    %get3A_28 = vector.load %arg2[%get3A_26, %get3A_27] : memref<4x50000xi32, #tpu.memory_space<vmem>>, vector<1x50000xi32>
    %get3A_29 = vector.shape_cast %get3A_28 : vector<1x50000xi32> to vector<50000xi32>
    %add3A_30 = arith.addi %add3A_25, %get3A_29 : vector<50000xi32>
    %swap3A_31 = arith.constant 0 : index
    %swap3A_32 = vector.load %arg5[%swap3A_31] : memref<200192xi32, #tpu.memory_space<vmem>>, vector<50000xi32>
    tpu.vector_store %arg5[%swap3A_31], %add3A_30 {strides = array<i32>} : memref<200192xi32, #tpu.memory_space<vmem>>, vector<50000xi32>,
    %swap3A_33 = arith.constant 50000 : index
    %swap3A_34 = vector.load %arg5[%swap3A_33] : memref<200192xi32, #tpu.memory_space<vmem>>, vector<48xi32>
    tpu.vector_store %arg5[%swap3A_33], %broadcast_in_dim3A_0 {strides = array<i32>} : memref<200192xi32, #tpu.memory_space<vmem>>, vector<48xi32>,
    %get3A_35 = arith.constant 1 : index
    %get3A_36 = arith.constant 0 : index
    %get3A_37 = vector.load %arg1[%get3A_35, %get3A_36] : memref<4x50000xi32, #tpu.memory_space<vmem>>, vector<1x50000xi32>
    %get3A_38 = vector.shape_cast %get3A_37 : vector<1x50000xi32> to vector<50000xi32>
    %mul3A_39 = arith.constant 512 : i32
    %mul3A_40 = vector.broadcast %mul3A_39 : i32 to vector<50000xi32>
    %mul3A_41 = arith.muli %get3A_38, %mul3A_40 : vector<50000xi32>
    %add3A_42 = arith.constant 262144 : i32
    %add3A_43 = vector.broadcast %add3A_42 : i32 to vector<50000xi32>
    %add3A_44 = arith.addi %add3A_43, %mul3A_41 : vector<50000xi32>
    %get3A_45 = arith.constant 1 : index
    %get3A_46 = arith.constant 0 : index
    %get3A_47 = vector.load %arg0[%get3A_45, %get3A_46] : memref<4x50000xi32, #tpu.memory_space<vmem>>, vector<1x50000xi32>
    %get3A_48 = vector.shape_cast %get3A_47 : vector<1x50000xi32> to vector<50000xi32>
    %add3A_49 = arith.addi %add3A_44, %get3A_48 : vector<50000xi32>
    %swap3A_50 = arith.constant 50048 : index
    %swap3A_51 = vector.load %arg4[%swap3A_50] : memref<200192xi32, #tpu.memory_space<vmem>>, vector<50000xi32>
    tpu.vector_store %arg4[%swap3A_50], %add3A_49 {strides = array<i32>} : memref<200192xi32, #tpu.memory_space<vmem>>, vector<50000xi32>,
    %swap3A_52 = arith.constant 100048 : index
    %swap3A_53 = vector.load %arg4[%swap3A_52] : memref<200192xi32, #tpu.memory_space<vmem>>, vector<48xi32>
    tpu.vector_store %arg4[%swap3A_52], %broadcast_in_dim3A_0 {strides = array<i32>} : memref<200192xi32, #tpu.memory_space<vmem>>, vector<48xi32>,
    %get3A_54 = arith.constant 1 : index
    %get3A_55 = arith.constant 0 : index
    %get3A_56 = vector.load %arg3[%get3A_54, %get3A_55] : memref<4x50000xi32, #tpu.memory_space<vmem>>, vector<1x50000xi32>
    %get3A_57 = vector.shape_cast %get3A_56 : vector<1x50000xi32> to vector<50000xi32>
    %mul3A_58 = arith.constant 512 : i32
    %mul3A_59 = vector.broadcast %mul3A_58 : i32 to vector<50000xi32>
    %mul3A_60 = arith.muli %get3A_57, %mul3A_59 : vector<50000xi32>
    %add3A_61 = arith.constant 262144 : i32
    %add3A_62 = vector.broadcast %add3A_61 : i32 to vector<50000xi32>
    %add3A_63 = arith.addi %add3A_62, %mul3A_60 : vector<50000xi32>
    %get3A_64 = arith.constant 1 : index
    %get3A_65 = arith.constant 0 : index
    %get3A_66 = vector.load %arg2[%get3A_64, %get3A_65] : memref<4x50000xi32, #tpu.memory_space<vmem>>, vector<1x50000xi32>
    %get3A_67 = vector.shape_cast %get3A_66 : vector<1x50000xi32> to vector<50000xi32>
    %add3A_68 = arith.addi %add3A_63, %get3A_67 : vector<50000xi32>
    %swap3A_69 = arith.constant 50048 : index
    %swap3A_70 = vector.load %arg5[%swap3A_69] : memref<200192xi32, #tpu.memory_space<vmem>>, vector<50000xi32>
    tpu.vector_store %arg5[%swap3A_69], %add3A_68 {strides = array<i32>} : memref<200192xi32, #tpu.memory_space<vmem>>, vector<50000xi32>,
    %swap3A_71 = arith.constant 100048 : index
    %swap3A_72 = vector.load %arg5[%swap3A_71] : memref<200192xi32, #tpu.memory_space<vmem>>, vector<48xi32>
    tpu.vector_store %arg5[%swap3A_71], %broadcast_in_dim3A_0 {strides = array<i32>} : memref<200192xi32, #tpu.memory_space<vmem>>, vector<48xi32>,
    %get3A_73 = arith.constant 2 : index
    %get3A_74 = arith.constant 0 : index
    %get3A_75 = vector.load %arg1[%get3A_73, %get3A_74] : memref<4x50000xi32, #tpu.memory_space<vmem>>, vector<1x50000xi32>
    %get3A_76 = vector.shape_cast %get3A_75 : vector<1x50000xi32> to vector<50000xi32>
    %mul3A_77 = arith.constant 512 : i32
    %mul3A_78 = vector.broadcast %mul3A_77 : i32 to vector<50000xi32>
    %mul3A_79 = arith.muli %get3A_76, %mul3A_78 : vector<50000xi32>
    %add3A_80 = arith.constant 0 : i32
    %add3A_81 = vector.broadcast %add3A_80 : i32 to vector<50000xi32>
    %add3A_82 = arith.addi %add3A_81, %mul3A_79 : vector<50000xi32>
    %get3A_83 = arith.constant 2 : index
    %get3A_84 = arith.constant 0 : index
    %get3A_85 = vector.load %arg0[%get3A_83, %get3A_84] : memref<4x50000xi32, #tpu.memory_space<vmem>>, vector<1x50000xi32>
    %get3A_86 = vector.shape_cast %get3A_85 : vector<1x50000xi32> to vector<50000xi32>
    %add3A_87 = arith.addi %add3A_82, %get3A_86 : vector<50000xi32>
    %swap3A_88 = arith.constant 100096 : index
    %swap3A_89 = vector.load %arg4[%swap3A_88] : memref<200192xi32, #tpu.memory_space<vmem>>, vector<50000xi32>
    tpu.vector_store %arg4[%swap3A_88], %add3A_87 {strides = array<i32>} : memref<200192xi32, #tpu.memory_space<vmem>>, vector<50000xi32>,
    %swap3A_90 = arith.constant 150096 : index
    %swap3A_91 = vector.load %arg4[%swap3A_90] : memref<200192xi32, #tpu.memory_space<vmem>>, vector<48xi32>
    tpu.vector_store %arg4[%swap3A_90], %broadcast_in_dim3A_0 {strides = array<i32>} : memref<200192xi32, #tpu.memory_space<vmem>>, vector<48xi32>,
    %get3A_92 = arith.constant 2 : index
    %get3A_93 = arith.constant 0 : index
    %get3A_94 = vector.load %arg3[%get3A_92, %get3A_93] : memref<4x50000xi32, #tpu.memory_space<vmem>>, vector<1x50000xi32>
    %get3A_95 = vector.shape_cast %get3A_94 : vector<1x50000xi32> to vector<50000xi32>
    %mul3A_96 = arith.constant 512 : i32
    %mul3A_97 = vector.broadcast %mul3A_96 : i32 to vector<50000xi32>
    %mul3A_98 = arith.muli %get3A_95, %mul3A_97 : vector<50000xi32>
    %add3A_99 = arith.constant 0 : i32
    %add3A_100 = vector.broadcast %add3A_99 : i32 to vector<50000xi32>
    %add3A_101 = arith.addi %add3A_100, %mul3A_98 : vector<50000xi32>
    %get3A_102 = arith.constant 2 : index
    %get3A_103 = arith.constant 0 : index
    %get3A_104 = vector.load %arg2[%get3A_102, %get3A_103] : memref<4x50000xi32, #tpu.memory_space<vmem>>, vector<1x50000xi32>
    %get3A_105 = vector.shape_cast %get3A_104 : vector<1x50000xi32> to vector<50000xi32>
    %add3A_106 = arith.addi %add3A_101, %get3A_105 : vector<50000xi32>
    %swap3A_107 = arith.constant 100096 : index
    %swap3A_108 = vector.load %arg5[%swap3A_107] : memref<200192xi32, #tpu.memory_space<vmem>>, vector<50000xi32>
    tpu.vector_store %arg5[%swap3A_107], %add3A_106 {strides = array<i32>} : memref<200192xi32, #tpu.memory_space<vmem>>, vector<50000xi32>,
    %swap3A_109 = arith.constant 150096 : index
    %swap3A_110 = vector.load %arg5[%swap3A_109] : memref<200192xi32, #tpu.memory_space<vmem>>, vector<48xi32>
    tpu.vector_store %arg5[%swap3A_109], %broadcast_in_dim3A_0 {strides = array<i32>} : memref<200192xi32, #tpu.memory_space<vmem>>, vector<48xi32>,
    %get3A_111 = arith.constant 3 : index
    %get3A_112 = arith.constant 0 : index
    %get3A_113 = vector.load %arg1[%get3A_111, %get3A_112] : memref<4x50000xi32, #tpu.memory_space<vmem>>, vector<1x50000xi32>
    %get3A_114 = vector.shape_cast %get3A_113 : vector<1x50000xi32> to vector<50000xi32>
    %mul3A_115 = arith.constant 512 : i32
    %mul3A_116 = vector.broadcast %mul3A_115 : i32 to vector<50000xi32>
    %mul3A_117 = arith.muli %get3A_114, %mul3A_116 : vector<50000xi32>
    %add3A_118 = arith.constant 262144 : i32
    %add3A_119 = vector.broadcast %add3A_118 : i32 to vector<50000xi32>
    %add3A_120 = arith.addi %add3A_119, %mul3A_117 : vector<50000xi32>
    %get3A_121 = arith.constant 3 : index
    %get3A_122 = arith.constant 0 : index
    %get3A_123 = vector.load %arg0[%get3A_121, %get3A_122] : memref<4x50000xi32, #tpu.memory_space<vmem>>, vector<1x50000xi32>
    %get3A_124 = vector.shape_cast %get3A_123 : vector<1x50000xi32> to vector<50000xi32>
    %add3A_125 = arith.addi %add3A_120, %get3A_124 : vector<50000xi32>
    %swap3A_126 = arith.constant 150144 : index
    %swap3A_127 = vector.load %arg4[%swap3A_126] : memref<200192xi32, #tpu.memory_space<vmem>>, vector<50000xi32>
    tpu.vector_store %arg4[%swap3A_126], %add3A_125 {strides = array<i32>} : memref<200192xi32, #tpu.memory_space<vmem>>, vector<50000xi32>,
    %swap3A_128 = arith.constant 200144 : index
    %swap3A_129 = vector.load %arg4[%swap3A_128] : memref<200192xi32, #tpu.memory_space<vmem>>, vector<48xi32>
    tpu.vector_store %arg4[%swap3A_128], %broadcast_in_dim3A_0 {strides = array<i32>} : memref<200192xi32, #tpu.memory_space<vmem>>, vector<48xi32>,
    %get3A_130 = arith.constant 3 : index
    %get3A_131 = arith.constant 0 : index
    %get3A_132 = vector.load %arg3[%get3A_130, %get3A_131] : memref<4x50000xi32, #tpu.memory_space<vmem>>, vector<1x50000xi32>
    %get3A_133 = vector.shape_cast %get3A_132 : vector<1x50000xi32> to vector<50000xi32>
    %mul3A_134 = arith.constant 512 : i32
    %mul3A_135 = vector.broadcast %mul3A_134 : i32 to vector<50000xi32>
    %mul3A_136 = arith.muli %get3A_133, %mul3A_135 : vector<50000xi32>
    %add3A_137 = arith.constant 262144 : i32
    %add3A_138 = vector.broadcast %add3A_137 : i32 to vector<50000xi32>
    %add3A_139 = arith.addi %add3A_138, %mul3A_136 : vector<50000xi32>
    %get3A_140 = arith.constant 3 : index
    %get3A_141 = arith.constant 0 : index
    %get3A_142 = vector.load %arg2[%get3A_140, %get3A_141] : memref<4x50000xi32, #tpu.memory_space<vmem>>, vector<1x50000xi32>
    %get3A_143 = vector.shape_cast %get3A_142 : vector<1x50000xi32> to vector<50000xi32>
    %add3A_144 = arith.addi %add3A_139, %get3A_143 : vector<50000xi32>
    %swap3A_145 = arith.constant 150144 : index
    %swap3A_146 = vector.load %arg5[%swap3A_145] : memref<200192xi32, #tpu.memory_space<vmem>>, vector<50000xi32>
    tpu.vector_store %arg5[%swap3A_145], %add3A_144 {strides = array<i32>} : memref<200192xi32, #tpu.memory_space<vmem>>, vector<50000xi32>,
    %swap3A_147 = arith.constant 200144 : index
    %swap3A_148 = vector.load %arg5[%swap3A_147] : memref<200192xi32, #tpu.memory_space<vmem>>, vector<48xi32>
    tpu.vector_store %arg5[%swap3A_147], %broadcast_in_dim3A_0 {strides = array<i32>} : memref<200192xi32, #tpu.memory_space<vmem>>, vector<48xi32>,
    return
  }
}

module attributes {stable_mosaic.version = 14 : i64} {
  func.func @_loss_body(%arg0: memref<200192xf32, #tpu.memory_space<vmem>>, %arg1: memref<200192xf32, #tpu.memory_space<vmem>>, %arg2: memref<4x50000xi32, #tpu.memory_space<vmem>>, %arg3: memref<1xf32, #tpu.memory_space<smem>>) attributes {dimension_semantics = [], scalar_prefetch = 0 : i64, scratch_operands = 0 : i64, tpu.core_type = #tpu.core_type<tc>} {
    %get3A = arith.constant 0 : index
    %get3A_0 = vector.load %arg0[%get3A] : memref<200192xf32, #tpu.memory_space<vmem>>, vector<50000xf32>
    %get3A_1 = arith.constant 0 : index
    %get3A_2 = vector.load %arg1[%get3A_1] : memref<200192xf32, #tpu.memory_space<vmem>>, vector<50000xf32>
    %sub3A = arith.subf %get3A_0, %get3A_2 : vector<50000xf32>
    %get3A_3 = arith.constant 0 : index
    %get3A_4 = arith.constant 0 : index
    %get3A_5 = vector.load %arg2[%get3A_3, %get3A_4] : memref<4x50000xi32, #tpu.memory_space<vmem>>, vector<1x50000xi32>
    %get3A_6 = vector.shape_cast %get3A_5 : vector<1x50000xi32> to vector<50000xi32>
    %convert_element_type3A = arith.sitofp %get3A_6 : vector<50000xi32> to vector<50000xf32>
    %sub3A_7 = arith.constant 1.000000e+00 : f32
    %sub3A_8 = vector.broadcast %sub3A_7 : f32 to vector<50000xf32>
    %sub3A_9 = arith.subf %convert_element_type3A, %sub3A_8 : vector<50000xf32>
    %abs3A = math.absf %sub3A_9 : vector<50000xf32>
    %neg3A = arith.constant 0.000000e+00 : f32
    %neg3A_10 = vector.broadcast %neg3A : f32 to vector<50000xf32>
    %neg3A_11 = arith.subf %neg3A_10, %sub3A_9 : vector<50000xf32>
    %mul3A = arith.mulf %neg3A_11, %sub3A : vector<50000xf32>
    %exp3A = math.exp %mul3A : vector<50000xf32>
    %add3A = arith.constant 1.000000e+00 : f32
    %add3A_12 = vector.broadcast %add3A : f32 to vector<50000xf32>
    %add3A_13 = arith.addf %add3A_12, %exp3A : vector<50000xf32>
    %log3A = math.log %add3A_13 : vector<50000xf32>
    %mul3A_14 = arith.mulf %abs3A, %log3A : vector<50000xf32>
    %sub3A_15 = arith.constant 1.000000e+00 : f32
    %sub3A_16 = vector.broadcast %sub3A_15 : f32 to vector<50000xf32>
    %sub3A_17 = arith.subf %sub3A_16, %abs3A : vector<50000xf32>
    %mul3A_18 = arith.mulf %sub3A_17, %sub3A : vector<50000xf32>
    %mul3A_19 = arith.mulf %mul3A_18, %sub3A : vector<50000xf32>
    %add3A_20 = arith.addf %mul3A_14, %mul3A_19 : vector<50000xf32>
    %reduce_sum3A = vector.shape_cast %add3A_20 : vector<50000xf32> to vector<1x50000xf32>
    %reduce_sum3A_21 = arith.constant dense<0.000000e+00> : vector<1xf32>
    %reduce_sum3A_22 = vector.multi_reduction <add>, %reduce_sum3A, %reduce_sum3A_21 [1] : vector<1x50000xf32> to vector<1xf32>
    %reduce_sum3A_23 = vector.shape_cast %reduce_sum3A_22 : vector<1xf32> to vector<1x1xf32>
    %reduce_sum3A_24 = vector.extract %reduce_sum3A_23[0, 0] : f32 from vector<1x1xf32>
    %add3A_25 = arith.constant 0.000000e+00 : f32
    %add3A_26 = arith.addf %add3A_25, %reduce_sum3A_24 : f32
    %get3A_27 = arith.constant 50048 : index
    %get3A_28 = vector.load %arg0[%get3A_27] : memref<200192xf32, #tpu.memory_space<vmem>>, vector<50000xf32>
    %get3A_29 = arith.constant 50048 : index
    %get3A_30 = vector.load %arg1[%get3A_29] : memref<200192xf32, #tpu.memory_space<vmem>>, vector<50000xf32>
    %sub3A_31 = arith.subf %get3A_28, %get3A_30 : vector<50000xf32>
    %get3A_32 = arith.constant 1 : index
    %get3A_33 = arith.constant 0 : index
    %get3A_34 = vector.load %arg2[%get3A_32, %get3A_33] : memref<4x50000xi32, #tpu.memory_space<vmem>>, vector<1x50000xi32>
    %get3A_35 = vector.shape_cast %get3A_34 : vector<1x50000xi32> to vector<50000xi32>
    %convert_element_type3A_36 = arith.sitofp %get3A_35 : vector<50000xi32> to vector<50000xf32>
    %sub3A_37 = arith.constant 1.000000e+00 : f32
    %sub3A_38 = vector.broadcast %sub3A_37 : f32 to vector<50000xf32>
    %sub3A_39 = arith.subf %convert_element_type3A_36, %sub3A_38 : vector<50000xf32>
    %abs3A_40 = math.absf %sub3A_39 : vector<50000xf32>
    %neg3A_41 = arith.constant 0.000000e+00 : f32
    %neg3A_42 = vector.broadcast %neg3A_41 : f32 to vector<50000xf32>
    %neg3A_43 = arith.subf %neg3A_42, %sub3A_39 : vector<50000xf32>
    %mul3A_44 = arith.mulf %neg3A_43, %sub3A_31 : vector<50000xf32>
    %exp3A_45 = math.exp %mul3A_44 : vector<50000xf32>
    %add3A_46 = arith.constant 1.000000e+00 : f32
    %add3A_47 = vector.broadcast %add3A_46 : f32 to vector<50000xf32>
    %add3A_48 = arith.addf %add3A_47, %exp3A_45 : vector<50000xf32>
    %log3A_49 = math.log %add3A_48 : vector<50000xf32>
    %mul3A_50 = arith.mulf %abs3A_40, %log3A_49 : vector<50000xf32>
    %sub3A_51 = arith.constant 1.000000e+00 : f32
    %sub3A_52 = vector.broadcast %sub3A_51 : f32 to vector<50000xf32>
    %sub3A_53 = arith.subf %sub3A_52, %abs3A_40 : vector<50000xf32>
    %mul3A_54 = arith.mulf %sub3A_53, %sub3A_31 : vector<50000xf32>
    %mul3A_55 = arith.mulf %mul3A_54, %sub3A_31 : vector<50000xf32>
    %add3A_56 = arith.addf %mul3A_50, %mul3A_55 : vector<50000xf32>
    %reduce_sum3A_57 = vector.shape_cast %add3A_56 : vector<50000xf32> to vector<1x50000xf32>
    %reduce_sum3A_58 = arith.constant dense<0.000000e+00> : vector<1xf32>
    %reduce_sum3A_59 = vector.multi_reduction <add>, %reduce_sum3A_57, %reduce_sum3A_58 [1] : vector<1x50000xf32> to vector<1xf32>
    %reduce_sum3A_60 = vector.shape_cast %reduce_sum3A_59 : vector<1xf32> to vector<1x1xf32>
    %reduce_sum3A_61 = vector.extract %reduce_sum3A_60[0, 0] : f32 from vector<1x1xf32>
    %add3A_62 = arith.addf %add3A_26, %reduce_sum3A_61 : f32
    %get3A_63 = arith.constant 100096 : index
    %get3A_64 = vector.load %arg0[%get3A_63] : memref<200192xf32, #tpu.memory_space<vmem>>, vector<50000xf32>
    %get3A_65 = arith.constant 100096 : index
    %get3A_66 = vector.load %arg1[%get3A_65] : memref<200192xf32, #tpu.memory_space<vmem>>, vector<50000xf32>
    %sub3A_67 = arith.subf %get3A_64, %get3A_66 : vector<50000xf32>
    %get3A_68 = arith.constant 2 : index
    %get3A_69 = arith.constant 0 : index
    %get3A_70 = vector.load %arg2[%get3A_68, %get3A_69] : memref<4x50000xi32, #tpu.memory_space<vmem>>, vector<1x50000xi32>
    %get3A_71 = vector.shape_cast %get3A_70 : vector<1x50000xi32> to vector<50000xi32>
    %convert_element_type3A_72 = arith.sitofp %get3A_71 : vector<50000xi32> to vector<50000xf32>
    %sub3A_73 = arith.constant 1.000000e+00 : f32
    %sub3A_74 = vector.broadcast %sub3A_73 : f32 to vector<50000xf32>
    %sub3A_75 = arith.subf %convert_element_type3A_72, %sub3A_74 : vector<50000xf32>
    %abs3A_76 = math.absf %sub3A_75 : vector<50000xf32>
    %neg3A_77 = arith.constant 0.000000e+00 : f32
    %neg3A_78 = vector.broadcast %neg3A_77 : f32 to vector<50000xf32>
    %neg3A_79 = arith.subf %neg3A_78, %sub3A_75 : vector<50000xf32>
    %mul3A_80 = arith.mulf %neg3A_79, %sub3A_67 : vector<50000xf32>
    %exp3A_81 = math.exp %mul3A_80 : vector<50000xf32>
    %add3A_82 = arith.constant 1.000000e+00 : f32
    %add3A_83 = vector.broadcast %add3A_82 : f32 to vector<50000xf32>
    %add3A_84 = arith.addf %add3A_83, %exp3A_81 : vector<50000xf32>
    %log3A_85 = math.log %add3A_84 : vector<50000xf32>
    %mul3A_86 = arith.mulf %abs3A_76, %log3A_85 : vector<50000xf32>
    %sub3A_87 = arith.constant 1.000000e+00 : f32
    %sub3A_88 = vector.broadcast %sub3A_87 : f32 to vector<50000xf32>
    %sub3A_89 = arith.subf %sub3A_88, %abs3A_76 : vector<50000xf32>
    %mul3A_90 = arith.mulf %sub3A_89, %sub3A_67 : vector<50000xf32>
    %mul3A_91 = arith.mulf %mul3A_90, %sub3A_67 : vector<50000xf32>
    %add3A_92 = arith.addf %mul3A_86, %mul3A_91 : vector<50000xf32>
    %reduce_sum3A_93 = vector.shape_cast %add3A_92 : vector<50000xf32> to vector<1x50000xf32>
    %reduce_sum3A_94 = arith.constant dense<0.000000e+00> : vector<1xf32>
    %reduce_sum3A_95 = vector.multi_reduction <add>, %reduce_sum3A_93, %reduce_sum3A_94 [1] : vector<1x50000xf32> to vector<1xf32>
    %reduce_sum3A_96 = vector.shape_cast %reduce_sum3A_95 : vector<1xf32> to vector<1x1xf32>
    %reduce_sum3A_97 = vector.extract %reduce_sum3A_96[0, 0] : f32 from vector<1x1xf32>
    %add3A_98 = arith.addf %add3A_62, %reduce_sum3A_97 : f32
    %get3A_99 = arith.constant 150144 : index
    %get3A_100 = vector.load %arg0[%get3A_99] : memref<200192xf32, #tpu.memory_space<vmem>>, vector<50000xf32>
    %get3A_101 = arith.constant 150144 : index
    %get3A_102 = vector.load %arg1[%get3A_101] : memref<200192xf32, #tpu.memory_space<vmem>>, vector<50000xf32>
    %sub3A_103 = arith.subf %get3A_100, %get3A_102 : vector<50000xf32>
    %get3A_104 = arith.constant 3 : index
    %get3A_105 = arith.constant 0 : index
    %get3A_106 = vector.load %arg2[%get3A_104, %get3A_105] : memref<4x50000xi32, #tpu.memory_space<vmem>>, vector<1x50000xi32>
    %get3A_107 = vector.shape_cast %get3A_106 : vector<1x50000xi32> to vector<50000xi32>
    %convert_element_type3A_108 = arith.sitofp %get3A_107 : vector<50000xi32> to vector<50000xf32>
    %sub3A_109 = arith.constant 1.000000e+00 : f32
    %sub3A_110 = vector.broadcast %sub3A_109 : f32 to vector<50000xf32>
    %sub3A_111 = arith.subf %convert_element_type3A_108, %sub3A_110 : vector<50000xf32>
    %abs3A_112 = math.absf %sub3A_111 : vector<50000xf32>
    %neg3A_113 = arith.constant 0.000000e+00 : f32
    %neg3A_114 = vector.broadcast %neg3A_113 : f32 to vector<50000xf32>
    %neg3A_115 = arith.subf %neg3A_114, %sub3A_111 : vector<50000xf32>
    %mul3A_116 = arith.mulf %neg3A_115, %sub3A_103 : vector<50000xf32>
    %exp3A_117 = math.exp %mul3A_116 : vector<50000xf32>
    %add3A_118 = arith.constant 1.000000e+00 : f32
    %add3A_119 = vector.broadcast %add3A_118 : f32 to vector<50000xf32>
    %add3A_120 = arith.addf %add3A_119, %exp3A_117 : vector<50000xf32>
    %log3A_121 = math.log %add3A_120 : vector<50000xf32>
    %mul3A_122 = arith.mulf %abs3A_112, %log3A_121 : vector<50000xf32>
    %sub3A_123 = arith.constant 1.000000e+00 : f32
    %sub3A_124 = vector.broadcast %sub3A_123 : f32 to vector<50000xf32>
    %sub3A_125 = arith.subf %sub3A_124, %abs3A_112 : vector<50000xf32>
    %mul3A_126 = arith.mulf %sub3A_125, %sub3A_103 : vector<50000xf32>
    %mul3A_127 = arith.mulf %mul3A_126, %sub3A_103 : vector<50000xf32>
    %add3A_128 = arith.addf %mul3A_122, %mul3A_127 : vector<50000xf32>
    %reduce_sum3A_129 = vector.shape_cast %add3A_128 : vector<50000xf32> to vector<1x50000xf32>
    %reduce_sum3A_130 = arith.constant dense<0.000000e+00> : vector<1xf32>
    %reduce_sum3A_131 = vector.multi_reduction <add>, %reduce_sum3A_129, %reduce_sum3A_130 [1] : vector<1x50000xf32> to vector<1xf32>
    %reduce_sum3A_132 = vector.shape_cast %reduce_sum3A_131 : vector<1xf32> to vector<1x1xf32>
    %reduce_sum3A_133 = vector.extract %reduce_sum3A_132[0, 0] : f32 from vector<1x1xf32>
    %add3A_134 = arith.addf %add3A_98, %reduce_sum3A_133 : f32
    %div3A = arith.constant 2.000000e+05 : f32
    %div3A_135 = arith.divf %add3A_134, %div3A : f32
    %swap3A = arith.constant 0 : index
    %swap3A_136 = memref.load %arg3[%swap3A] : memref<1xf32, #tpu.memory_space<smem>>
    memref.store %div3A_135, %arg3[%swap3A] : memref<1xf32, #tpu.memory_space<smem>>
    return
  }
}

</mosaic_0001>

<sc_bundles>
// kernel: kernel.5.cloned.1.call-start
scs
__scs_entry_jumppad:
0x0: {  	(pc) =	sbr.rel $0x88, $3  }
0x1: {  	(tag) =	ssettag $0x0;
	lr =	simm.s32 $0x1  }
0x2: {  	[smem:$0x3F9B] =	sst lr;
	_ =	strace $0xD0000000  }
0x3: {  	_ = 	snop  }
0x4: {  	_ = 	snop  }
0x5: {  	_ = 	snop  }
0x6: {  	_ = 	snop  }
0x7: {  	_ = 	snop  }
__scs_overlays_trampoline_lowered:
0x8: {  	[smem:$0x3FAA] =	sst s0  }
0x9: {  	[smem:$0x3FAB] =	sst s1  }
0xa: {  	[smem:$0x3FAC] =	sst s2  }
0xb: {  	[smem:$0x3FAD] =	sst s3  }
0xc: {  	[smem:$0x3FAE] =	sst s4  }
0xd: {  	[smem:$0x3FAF] =	sst s5  }
0xe: {  	[smem:$0x3FB0] =	sst s6  }
0xf: {  	[smem:$0x3FB1] =	sst s7  }
0x10: {  	[smem:$0x3FB2] =	sst s8  }
0x11: {  	[smem:$0x3FB3] =	sst s9;
	s0 =	simm.s32 @!p0 $0x0  }
0x12: {  	s1 =	sld [smem:$0x3F99];
	s0 =	simm.s32 @p0 $0x1  }
0x13: {  	[smem:$0x3FB4] =	sst s0;
	s0 =	simm.s32 @!p1 $0x0  }
0x14: {  	s2 =	sld [smem:$0x3F98];
	s0 =	simm.s32 @p1 $0x1  }
0x15: {  	[smem:$0x3FB5] =	sst s0;
	s0 =	simm.s32 @!p2 $0x0  }
0x16: {  	s3 =	sld [smem:$0x3FDB];
	s0 =	simm.s32 @p2 $0x1  }
0x17: {  	s4 =	simm.s32 $0x1BF5;
	[smem:$0x3FB7] =	sst s0  }
0x18: {  	s0 =	sld [smem:$0x3F9A];
	_ =	swait.ge [sflag:s4], $0x0  }
0x19: {  	s7 =	sld [smem:$0x3F9B]  }
0x1a: {  	s8 =	sadd.s32 $0xFFFFE003, lr  }
0x1b: {  	s9 =	sadd.s32 $0xFFFFFEF7, lr;
	s5 =	simm.s32 $0xFFFFFFFF;
	p2 =	slt.u32 s8, $0xFFFFF086  }
0x1c: {  	p1 =	slt.u32 s9, $0xF7A;
	s5 =	simm.s32 @!p2 $0x0  }
0x1d: {  	s5 =	simm.s32 @p1 $0x1;
	p0 =	seq.s32 s7, s2  }
0x1e: {  	s7 =	smul.u32 @!p0 $0xF7A, s2;
	p2 =	seq.s32 @!p0 s5, $0x0  }
0x1f: {  	s9 =	smul.u32 $0xF7A, s1;
	s8 =	simm.s32 @!p0 $0x1BF5;
	p2 =	por !p2, p0  }
0x20: {  	[sflag:s8] =	ssyncset.s32 @!p0 $0xFFFFF086;
	s6 =	sadd.s32 @!p0 s3, s7;
	s7 =	simm.s32 @!p0 $0x108  }
0x21: {  	s3 =	sadd.s32 s3, s9;
	s6 =	sadd.s32 @!p0 $0x88, s6;
	s7 =	simm.s32 @p2 $0x1082  }
0x22: {  	[simem:s7], [sflag:s8] =	dma.local @!p0 [hbm:s6], $0xF7A  }
0x23: {  	s9 =	sor.u32 $0xD0000000, s2;
	s6 =	simm.s32 $0x108;
	_ =	swait.ge @!p0 [sflag:s8], $0x0  }
0x24: {  	s3 =	sadd.s32 $0x88, s3;
	s6 =	simm.s32 @!p1 $0x1082;
	[sflag:s4] =	ssyncset.s32 $0xFFFFF086  }
0x25: {  	[simem:s6], [sflag:s4] =	dma.local [hbm:s3], $0xF7A  }
0x26: {  	[smem:$0x3F9B] =	sst s1;
	(tag) =	ssettag s2;
	_ =	strace s9  }
0x27: {  	s1 =	sld [smem:$0x3FAB]  }
0x28: {  	s2 =	sld [smem:$0x3FAC]  }
0x29: {  	s4 =	sld [smem:$0x3FAE]  }
0x2a: {  	p0 =	seq.s32 s5, $0x0;
	s5 =	sld [smem:$0x3FAF]  }
0x2b: {  	s6 =	sld [smem:$0x3FB0]  }
0x2c: {  	s7 =	sld [smem:$0x3FB1]  }
0x2d: {  	s3 =	simm.s32 $0x108;
	s8 =	sld [smem:$0x3FB2]  }
0x2e: {  	s3 =	simm.s32 @!p0 $0x1082;
	s9 =	sld [smem:$0x3FB3]  }
0x2f: {  	lr =	sadd.s32 s0, s3;
	s0 =	sld [smem:$0x3FAA]  }
0x30: {  	s3 =	sld [smem:$0x3FAD]  }
0x31: {  	[smem:$0x3FB6] =	sst s10  }
0x32: {  	s10 =	sld [smem:$0x3FB4];
	_ =	sdelay $0x3  }
0x33: {  	p0 =	seq.s32 s10, $0x1;
	s10 =	sld [smem:$0x3FB6];
	_ =	sdelay $0x3  }
0x34: {  	[smem:$0x3FB6] =	sst s10  }
0x35: {  	s10 =	sld [smem:$0x3FB5];
	_ =	sdelay $0x3  }
0x36: {  	p1 =	seq.s32 s10, $0x1;
	s10 =	sld [smem:$0x3FB6];
	_ =	sdelay $0x3  }
0x37: {  	[smem:$0x3FB6] =	sst s10  }
0x38: {  	s10 =	sld [smem:$0x3FB7]  }
0x39: {  	_ = 	snop;
	(pc) =	sbr.ind lr, $3  }
0x3a: {  	_ = 	snop  }
0x3b: {  	_ = 	snop  }
0x3c: {  	p2 =	seq.s32 s10, $0x1;
	s10 =	sld [smem:$0x3FB6]  }
0x3d: {  	_ =	shalt  }
0x3e: {  	_ =	shalt  }
0x3f: {  	_ =	shalt  }
0x40: {  	_ =	shalt  }
0x41: {  	_ =	shalt  }
0x42: {  	_ =	shalt  }
0x43: {  	_ =	shalt  }
0x44: {  	_ =	shalt  }
0x45: {  	_ =	shalt  }
0x46: {  	_ =	shalt  }
0x47: {  	_ =	shalt  }
0x48: {  	_ =	shalt  }
0x49: {  	_ =	shalt  }
0x4a: {  	_ =	shalt  }
0x4b: {  	_ =	shalt  }
0x4c: {  	_ =	shalt  }
0x4d: {  	_ =	shalt  }
0x4e: {  	_ =	shalt  }
0x4f: {  	_ =	shalt  }
0x50: {  	_ =	shalt  }
0x51: {  	_ =	shalt  }
0x52: {  	_ =	shalt  }
0x53: {  	_ =	shalt  }
0x54: {  	_ =	shalt  }
0x55: {  	_ =	shalt  }
0x56: {  	_ =	shalt  }
0x57: {  	_ =	shalt  }
0x58: {  	_ =	shalt  }
0x59: {  	_ =	shalt  }
0x5a: {  	_ =	shalt  }
0x5b: {  	_ =	shalt  }
0x5c: {  	_ =	shalt  }
0x5d: {  	_ =	shalt  }
0x5e: {  	_ =	shalt  }
0x5f: {  	_ =	shalt  }
0x60: {  	_ =	shalt  }
0x61: {  	_ =	shalt  }
0x62: {  	_ =	shalt  }
0x63: {  	_ =	shalt  }
0x64: {  	_ =	shalt  }
0x65: {  	_ =	shalt  }
0x66: {  	_ =	shalt  }
0x67: {  	_ =	shalt  }
0x68: {  	_ =	shalt  }
0x69: {  	_ =	shalt  }
0x6a: {  	_ =	shalt  }
0x6b: {  	_ =	shalt  }
0x6c: {  	_ =	shalt  }
0x6d: {  	_ =	shalt  }
0x6e: {  	_ =	shalt  }
0x6f: {  	_ =	shalt  }
0x70: {  	_ =	shalt  }
0x71: {  	_ =	shalt  }
0x72: {  	_ =	shalt  }
0x73: {  	_ =	shalt  }
0x74: {  	_ =	shalt  }
0x75: {  	_ =	shalt  }
0x76: {  	_ =	shalt  }
0x77: {  	_ =	shalt  }
0x78: {  	_ =	shalt  }
0x79: {  	_ =	shalt  }
0x7a: {  	_ =	shalt  }
0x7b: {  	_ =	shalt  }
0x7c: {  	_ =	shalt  }
0x7d: {  	_ =	shalt  }
0x7e: {  	_ =	shalt  }
0x7f: {  	_ =	shalt  }
0x80: {  	_ =	shalt  }
0x81: {  	_ =	shalt  }
0x82: {  	_ =	shalt  }
0x83: {  	_ =	shalt  }
0x84: {  	_ =	shalt  }
0x85: {  	_ =	shalt  }
0x86: {  	_ =	shalt  }
0x87: {  	_ =	shalt  }
.Lfunc_end0:
.L_simem_size_0:
called_computation_lowered:
.L_overlay_start_0:
0x88: {  	s2 =	sld [smem:$0x3FD9]  }
0x89: {  	s3 =	sld [smem:$0x3FFE];
	_ =	sdelay $0x1  }
0x8a: {  	s1 =	srdreg.scid  }
0x8b: {  	s0 =	sand.u32 $0x1, s1  }
0x8c: {  	s17 =	sshll.u32 s0, $0xA;
	s2 =	sadd.s32 s3, s2  }
0x8d: {  	s2 =	sadd.s32 s2, s17  }
0x8e: {  	[smem:$0x3FC2] =	sst s2  }
0x8f: {  	_ = 	snop  }
0x90: {  	s2 =	sld [smem:$0x3FC9];
	(tm) =	ssettm $0x1  }
0x91: {  	s18 =	sld [smem:$0x3FFB];
	_ =	sdelay $0x3  }
0x92: {  	_ =	strace s18  }
0x93: {  	s3 =	sld [smem:$0x3FFC];
	_ =	sdelay $0x3  }
0x94: {  	_ =	strace s3  }
0x95: {  	s3 =	sld [smem:$0x3FFD];
	_ =	sdelay $0x3  }
0x96: {  	_ =	strace s3  }
0x97: {  	_ =	strace $0x8FFFFFFF  }
0x98: {  	s19 =	sld [smem:$0x3FDB];
	_ =	sdelay $0x1  }
0x99: {  	s4 =	simm.s32 $_scs_section_size  }
0x9a: {  	s5 =	simm.s32 $_size__tile_overlayer_lowered;
	s6 =	simm.s32 $_tile_overlayer_lowered  }
0x9b: {  	s22 =	simm.s32 $0x1BFF;
	s21 =	sshll.u32 s6, $0x1;
	s3 =	sadd.s32 s4, s19  }
0x9c: {  	s7 =	simm.s32 $0x0;
	s20 =	sshll.u32 s5, $0x1;
	s5 =	sadd.s32 s21, s3  }
0x9d: {  	[timem:s7], [sflag:s22] =	dma.local [hbm:s5], s20  }
0x9e: {  	_ =	swait.ge [sflag:s22], s20  }
0x9f: {  	s4 =	ssub.s32 $0x0, s20;
	[sflag:s22] =	ssyncset.done $0x0  }
0xa0: {  	[sflag:s22] =	ssyncadd.s32 s4;
	_ =	sdelay $0x1  }
0xa1: {  	s23 =	simm.s32 $0x1B8B  }
0xa2: {  	_ =	swait.ge [sflag:s23], $0x1  }
0xa3: {  	[sflag:s23] =	ssyncset.done $0x0  }
0xa4: {  	s25 =	simm.s32 $0x1B8E;
	s24 =	sld [smem:$0x3FFE];
	[sflag:s23] =	ssyncadd.s32 $0xFFFFFFFF  }
0xa5: {  	s26 =	simm.s32 $execute0_lowered;
	[smem:$0x3FD2] =	sst s25  }
0xa6: {  	s5 =	sshll.u32 s26, $0x1;
	_ =	strace $0x80000046;
	[dreg:$0x1] =	wrdreg $0xFFFFFFFF  }
0xa7: {  	s28 =	simm.s32 $_size_execute0_lowered;
	s3 =	sadd.s32 s3, s5;
	[dreg:$0x0] =	wrdreg $0x0  }
0xa8: {  	s5 =	sshll.u32 s28, $0x1;
	[dreg:$0x2] =	wrdreg s3  }
0xa9: {  	[dreg:$0x3] =	wrdreg s5  }
0xaa: {  	[dreg:$0x4] =	wrdreg $0xC0  }
0xab: {  	_ =	task [dreg:s7], $0x5FFFF  }
0xac: {  	[dreg:$0x1] =	wrdreg $0xFFFFFFFF  }
0xad: {  	[dreg:$0x0] =	wrdreg $0x60  }
0xae: {  	[dreg:$0x2] =	wrdreg s2  }
0xaf: {  	[dreg:$0x3] =	wrdreg s24  }
0xb0: {  	[dreg:$0x4] =	wrdreg $0x62000  }
0xb1: {  	[dreg:$0x5] =	wrdreg $0x9  }
0xb2: {  	_ =	task.clear_ibuf [dreg:s7], $0x6FFFF;
	_ =	strace $0x90000046  }
0xb3: {  	s29 =	simm.s32 $0x9;
	_ =	strace $0x80000048  }
0xb4: {  	_ =	swait.ge [sflag:s29], $0x1  }
0xb5: {  	[sflag:s29] =	ssyncadd.s32 $0xFFFFFFFF  }
0xb6: {  	_ =	strace $0x90000048  }
0xb7: {  	_ =	sfence  }
0xb8: {  	s30 =	sld [smem:$0x0];
	_ =	sdelay $0x2  }
0xb9: {  	s31 =	sshll.u32 s1, $0xD;
	s1 =	sshrl.u32 s1, $0x2  }
0xba: {  	s3 =	sand.u32 $0x4000, s31;
	s1 =	sadd.s32 s1, s30  }
0xbb: {  	s0 =	sor.u32 s3, s0;
	s1 =	sshll.u32 s1, $0x11  }
0xbc: {  	s0 =	sor.u32 s1, s0  }
0xbd: {  	s0 =	sadd.s32 $0x8F2B, s0  }
0xbe: {  	[sflag:s0] =	ssyncadd.remote.s32 $0x1  }
0xbf: {  	_ =	sfence.sel $0xFFFF  }
0xc0: {  	[dreg:$0x0] =	wrdreg $0xFFFFFFFF;
	(pc) =	sbr.abs _section_cstart, $3  }
0xc1: {  	[dreg:$0x1] =	wrdreg $0xFFFFFFFF  }
0xc2: {  	_ =	task.clear_ibuf [dreg:s7], $0x2FFFF;
	_ =	strace $0x9FFFFFFF  }
0xc3: {  	(tm) =	ssettm $0x7FFFFFFF  }
tec
execute0_lowered:
.L_overlay_start_1:
0x0: {  	(tag) =	ssettag $0x1  }
0x1: {  	s0 =	rddreg [dreg:$0x0]  }
0x2: {  	s1 =	srdreg.scid;
	s5 =	rddreg [dreg:$0x1]  }
0x3: {  	s3 =	rddreg [dreg:$0x2];
	s2 =	stileid.u32  }
0x4: {  	s14 =	simm.s32 $0x1880;
	s16 =	simm.s32 $0x1;
	s17 =	simm.s32 $0x10  }
0x5: {  	s18 =	simm.s32 $0x80;
	s20 =	simm.s32 $0x2;
	s21 =	simm.s32 $0x3100  }
0x6: {  	s22 =	simm.s32 $0x4980;
	s23 =	simm.s32 $0x0;
	s11 =	sand.u32 $0x1, s1  }
0x7: {  	s1 =	rddreg [dreg:$0x3];
	s12 =	sshll.u32 s2, $0xB;
	s13 =	sshll.u32 s2, $0xE  }
0x8: {  	s19 =	sshll.u32 s2, $0x6;
	p0 =	sgt.u32 s2, $0x7;
	s4 =	sshll.u32 s11, $0x4  }
0x9: {  	s7 =	ssub.s32 $0x2, s11;
	s11 =	sshll.u32 s11, $0x10;
	s15 =	sor.u32 $0x1C02, s19  }
0xa: {  	s19 =	sor.u32 $0x1C03, s19;
	s6 =	sor.u32 s2, s4;
	s4 =	simm.s32 $0x0  }
0xb: {  	s8 =	sshrl.u32 s7, $0x1;
	s11 =	sor.u32 s12, s11;
	s6 =	smul.u32 $0x30E, s6  }
0xc: {  	s12 =	sadd.s32 s13, s3;
	[smem:$0x7FF] =	sst s4;
	s10 =	ssub.s32 s7, s8  }
0xd: {  	s7 =	sadd.s32 $0x8000, s0;
	s13 =	sadd.s32 $0x40000, s12;
	s9 =	sadd.s32 s6, s5  }
0xe: {  	_ =	strace $0x80000047;
	s10 =	smax.u32 s10, $0x1;
	s5 =	sadd.s32 $0x1C00, s9  }
0xf: {  	v0 =	vimm.s32 $0x0;
	s6 =	sadd.s32 $0x7E00, s9;
	s8 =	sadd.s32 $0xE000, s9;
	s9 =	sadd.s32 $0x14200, s9  }
.LBB2_1:
0x10: {  	[tilespmem:s4], [sflag:$0x1] =	stream.linear.gather [hbm4b:s5+s4], $0x1870, $0x38;
	[tilespmem:$0xE200] =	vst v63  }
0x11: {  	s25 =	sand.u32 $0x70, s4  }
0x12: {  	s24 =	sand.u32 $0x17E00, s11;
	s25 =	sadd.s32 s0, s25  }
0x13: {  	[tilespmem:s14], [sflag:$0x1] =	stream.linear.gather [hbm4b:s6+s4], $0x1870, $0x38;
	[tilespmem:$0xE200] =	vst v63  }
0x14: {  	s26 =	sshrl.u32 s12, $0x3;
	s25 =	sadd.s32 s24, s25  }
0x15: {  	[spmem:s26@s17], [sflag:s15] =	dma.strided [hbm:s25@s18], $0x40, s16, $0x10   }
0x16: {  	s28 =	smov.u32 s12;
	s25 =	simm.s32 $0x10;
	s26 =	sadd.s32 $0x40, s11  }
.LBB2_2:
0x17: {  	s29 =	sand.u32 $0x70, s25  }
0x18: {  	p1 =	sne.s32 s25, $0x1F0;
	s25 =	sadd.s32 $0x10, s25;
	s30 =	sand.u32 $0x17E00, s26  }
.Ltmp0:
0x19: {  	s28 =	sadd.s32 $0x200, s28;
	s29 =	sadd.s32 s0, s29;
	(pc) =	sbr.rel @p1 .LBB2_2-.Ltmp0, $4  }
0x1a: {  	s29 =	sadd.s32 s30, s29;
	s30 =	sshrl.u32 s28, $0x3  }
0x1b: {  	[spmem:s30@s17], [sflag:s15] =	dma.strided [hbm:s29@s18], $0x40, s16, $0x10   }
0x1c: {  	_ = 	snop  }
0x1d: {  	s26 =	sadd.s32 $0x40, s26  }
0x1e: {  	s25 =	simm.s32 $0x0  }
0x1f: {  	s25 =	sand.u32 $0x70, s25  }
0x20: {  	s24 =	sor.u32 s24, s25  }
0x21: {  	s31 =	sshrl.u32 s13, $0x3;
	s24 =	sadd.s32 s24, s7  }
0x22: {  	[spmem:s31@s17], [sflag:s19] =	dma.strided [hbm:s24@s18], $0x40, s16, $0x10   }
0x23: {  	s26 =	smov.u32 s13;
	s25 =	smov.u32 s11;
	s24 =	simm.s32 $0x10  }
.LBB2_4:
0x24: {  	p1 =	sne.s32 s24, $0x1F0  }
.Ltmp1:
0x25: {  	s28 =	sand.u32 $0x70, s24;
	s25 =	sadd.s32 $0x40, s25;
	(pc) =	sbr.rel @p1 .LBB2_4-.Ltmp1, $4  }
0x26: {  	s24 =	sadd.s32 $0x10, s24;
	s29 =	sand.u32 $0x17E00, s25  }
0x27: {  	s26 =	sadd.s32 $0x200, s26;
	s28 =	sor.u32 s29, s28  }
0x28: {  	s29 =	sshrl.u32 s26, $0x3;
	s28 =	sadd.s32 s28, s7  }
0x29: {  	[spmem:s29@s17], [sflag:s19] =	dma.strided [hbm:s28@s18], $0x40, s16, $0x10   }
0x2a: {  	_ =	swait.ge [sflag:s16], $0x1870  }
0x2b: {  	[sflag:s16] =	ssyncset.done $0x0  }
0x2c: {  	[sflag:s16] =	ssyncadd.s32 $0xFFFFE790  }
0x2d: {  	_ =	swait.ge [sflag:s16], $0x1870  }
0x2e: {  	[sflag:s16] =	ssyncset.done $0x0  }
0x2f: {  	[sflag:s16] =	ssyncadd.s32 $0xFFFFE790  }
0x30: {  	[tilespmem:$0x1870] =	vst v0  }
0x31: {  	[tilespmem:$0x30F0] =	vst v0  }
0x32: {  	_ =	swait.ge [sflag:s20], $0x800  }
0x33: {  	[sflag:s20] =	ssyncset.done $0x0  }
0x34: {  	[sflag:s20] =	ssyncadd.s32 $0xFFFFF800  }
0x35: {  	s24 =	simm.s32 @p0 $0x3;
	[bflag:$0x0] =	sbarrier.arrive $0xFFFF  }
0x36: {  	_ =	swait.ge @p0 [sflag:s24], $0x800  }
0x37: {  	[sflag:s24] =	ssyncset.done @p0 $0x0  }
0x38: {  	s25 =	simm.s32 @p0 $0x0;
	[sflag:s24] =	ssyncadd.s32 @p0 $0xFFFFF800  }
0x39: {  	s26 =	simm.s32 @p0 $0x3100;
	s24 =	simm.s32 @p0 $0x1880;
	[bflag:$0x0] =	sbarrier.arrive @p0 $0xFFFF  }
0x3a: {  	[tilespmem:s26], [sflag:$0x2] =	stream.indirect.gather @p0 [spmem:s3], $0x1, s25, s24, $0xb8;
	[tilespmem:$0xE200] =	vst v63  }
0x3b: {  	s25 =	simm.s32 @p0 $0x4980  }
0x3c: {  	[tilespmem:s25], [sflag:$0x2] =	stream.indirect.gather @p0 [spmem:s3], $0x1, s24, s24, $0xb8;
	[tilespmem:$0xE200] =	vst v63  }
0x3d: {  	s26 =	simm.s32 @!p0 $0x3100;
	s24 =	simm.s32 @!p0 $0x1880;
	s25 =	simm.s32 @!p0 $0x0  }
0x3e: {  	[tilespmem:s26], [sflag:$0x2] =	stream.indirect.gather @!p0 [spmem:s3], $0x1, s25, s24, $0xb8;
	[tilespmem:$0xE200] =	vst v63  }
0x3f: {  	s25 =	simm.s32 @!p0 $0x4980  }
0x40: {  	[tilespmem:s25], [sflag:$0x2] =	stream.indirect.gather @!p0 [spmem:s3], $0x1, s24, s24, $0xb8;
	[tilespmem:$0xE200] =	vst v63  }
0x41: {  	s24 =	simm.s32 @!p0 $0x3  }
0x42: {  	_ =	swait.ge @!p0 [sflag:s24], $0x800  }
0x43: {  	[sflag:s24] =	ssyncset.done @!p0 $0x0  }
0x44: {  	[sflag:s24] =	ssyncadd.s32 @!p0 $0xFFFFF800  }
0x45: {  	[bflag:$0x0] =	sbarrier.arrive @!p0 $0xFFFF  }
0x46: {  	_ =	swait.ge [sflag:s20], $0x1880  }
0x47: {  	[sflag:s20] =	ssyncset.done $0x0  }
0x48: {  	[sflag:s20] =	ssyncadd.s32 $0xFFFFE780  }
0x49: {  	_ =	swait.ge [sflag:s20], $0x1880  }
0x4a: {  	[sflag:s20] =	ssyncset.done $0x0  }
0x4b: {  	[sflag:s20] =	ssyncadd.s32 $0xFFFFE780  }
0x4c: {  	[hbm4b:s8+s4] =	stream.linear.scatter [tilespmem:s21], [sflag:$0x1], $0x1870, $0x38;
	[tilespmem:$0xE200] =	vst v63  }
0x4d: {  	s23 =	sadd.s32 $0x1, s23  }
0x4e: {  	[hbm4b:s9+s4] =	stream.linear.scatter [tilespmem:s22], [sflag:$0x1], $0x1870, $0x38;
	[tilespmem:$0xE200] =	vst v63  }
0x4f: {  	p1 =	sne.s32 s23, s10;
	_ =	swait.ge [sflag:s16], $0x1870  }
.Ltmp2:
0x50: {  	[sflag:s16] =	ssyncset.done $0x0;
	(pc) =	sbr.rel @p1 .LBB2_1-.Ltmp2, $4  }
0x51: {  	[sflag:s16] =	ssyncadd.s32 $0xFFFFE790  }
0x52: {  	_ =	swait.ge [sflag:s16], $0x1870  }
0x53: {  	[sflag:s16] =	ssyncset.done $0x0  }
0x54: {  	[sflag:s16] =	ssyncadd.s32 $0xFFFFE790  }
0x55: {  	_ =	sfence.sel $0x180000  }
0x56: {  	[bflag:$0x0] =	sbarrier.arrive $0xFFFF  }
0x57: {  	p0 =	sne.s32 s2, $0x0;
	_ =	strace $0x90000047  }
0x58: {  	s0 =	sadd.s32 @!p0 $0x100000, s1;
	[bflag:$0x2] =	sbarrier.arrive $0xFFFF  }
0x59: {  	[sflag:s0] =	ssyncadd.tile.s32 @!p0 $0x1;
	_ =	shalt  }
.Lfunc_end2:
_tile_overlayer_lowered:
.L_overlay_start_2:
0x5a: {  	(tag) =	ssettag $0x2  }
0x5b: {  	s0 =	rddreg [dreg:$0x0];
	s2 =	stileid.u32  }
0x5c: {  	s1 =	rddreg [dreg:$0x1];
	p0 =	sne.s32 s2, $0x0  }
0x5d: {  	s3 =	rddreg [dreg:$0x2];
	[bflag:$0x3] =	sbarrier.arrive $0xFFFF;
	s2 =	simm.s32 @!p0 $0x1C04  }
0x5e: {  	[timem:s3], [sflag:s2] =	dma.local @!p0 [hbm:s0], s1  }
0x5f: {  	s0 =	simm.s32 @!p0 $0x4  }
0x60: {  	_ =	swait.ge @!p0 [sflag:s0], s1  }
0x61: {  	s1 =	ssub.s32 @!p0 $0x0, s1;
	[sflag:s0] =	ssyncset.done @!p0 $0x0  }
0x62: {  	[sflag:s0] =	ssyncadd.s32 @!p0 s1  }
0x63: {  	[bflag:$0x3] =	sbarrier.arrive $0xFFFF  }
0x64: {  	_ =	shalt  }

</sc_bundles>
